<compile_context>
chip_gen: v7x
topology: tpu7x:2x2x1
jax: 0.10.2.dev20260603
libtpu: 0.0.44.dev20260713+nightly
codegen_flags: <defaults>
</compile_context>

<pallas_src>
import functools

import jax
import jax.numpy as jnp
from jax import lax
from jax.experimental import pallas as pl
from jax.experimental.pallas import tpu as pltpu
from jax.experimental.pallas import tpu_sc as plsc

_NUM_CHARS = 100000
_HIDDEN = 16
_BATCH = 1024
_TM = 2048
_LANE_TILES = 782
_SLAB = 3200


@functools.cache
def _make_sc_gather():
    info = plsc.get_sparse_core_info()
    nc, ns, nl = info.num_cores, info.num_subcores, info.num_lanes
    nw = nc * ns
    mesh = plsc.VectorSubcoreMesh(core_axis_name="c", subcore_axis_name="s")

    @functools.partial(
        pl.kernel,
        mesh=mesh,
        out_type=jax.ShapeDtypeStruct((nw, _HIDDEN, _BATCH), jnp.float32),
        scratch_types=[
            pltpu.VMEM((_BATCH,), jnp.int32),
            pltpu.VMEM((_HIDDEN, _SLAB), jnp.float32),
            pltpu.VMEM((_HIDDEN, _BATCH), jnp.float32),
            pltpu.SemaphoreType.DMA,
            pltpu.SemaphoreType.DMA,
        ],
        compiler_params=pltpu.CompilerParams(needs_layout_passes=False),
    )
    def gather_k(idx_hbm, tablet_hbm, out_hbm, idx_v, slab_v, xt_v, s1, s2):
        wid = lax.axis_index("s") * nc + lax.axis_index("c")
        lo_tile = (_LANE_TILES * wid) // nw
        hi_tile = (_LANE_TILES * (wid + 1)) // nw
        own_lo = lo_tile * 128
        own_hi = hi_tile * 128
        ci = pltpu.async_copy(idx_hbm, idx_v, s1)
        cs = pltpu.async_copy(
            tablet_hbm.at[:, pl.ds(pl.multiple_of(own_lo, 128), _SLAB)],
            slab_v,
            s2,
        )
        ci.wait()
        cs.wait()
        iota = lax.iota(jnp.int32, nl)

        zeros = jnp.zeros((nl,), jnp.float32)

        def chunk(c, carry):
            v = idx_v[pl.ds(c * nl, nl)]
            m = (v >= own_lo) & (v < own_hi)
            loc = jnp.clip(v - own_lo, 0, _SLAB - 1)
            cols = c * nl + iota

            def hit():
                for h in range(_HIDDEN):
                    hv = jnp.full((nl,), h, jnp.int32)
                    g = plsc.load_gather(slab_v, [hv, loc])
                    plsc.store_scatter(
                        xt_v, [hv, cols], jnp.where(m, g, jnp.float32(0.0)))

            def miss():
                for h in range(_HIDDEN):
                    hv = jnp.full((nl,), h, jnp.int32)
                    plsc.store_scatter(xt_v, [hv, cols], zeros)

            lax.cond(jnp.any(m), hit, miss)
            return carry

        lax.fori_loop(0, _BATCH // nl, chunk, 0, unroll=False)
        pltpu.sync_copy(xt_v, out_hbm.at[wid])

    return gather_k


def _matmul_body(xs_ref, projt_ref, out_ref, xt_vmem):
    i = pl.program_id(0)

    @pl.when(i == 0)
    def _():
        xt_vmem[...] = jnp.sum(xs_ref[...], axis=0)

    out_ref[...] = lax.dot_general(
        projt_ref[...],
        xt_vmem[...],
        dimension_numbers=(((0,), (0,)), ((), ())),
        preferred_element_type=jnp.float32,
    )


def _tc_matmul(xs, projt):
    nw = xs.shape[0]
    return pl.pallas_call(
        _matmul_body,
        grid=(pl.cdiv(_NUM_CHARS, _TM),),
        in_specs=[
            pl.BlockSpec((nw, _HIDDEN, _BATCH), lambda i: (0, 0, 0)),
            pl.BlockSpec((_HIDDEN, _TM), lambda i: (0, i)),
        ],
        out_specs=pl.BlockSpec((_TM, _BATCH), lambda i: (i, 0)),
        out_shape=jax.ShapeDtypeStruct((_NUM_CHARS, _BATCH), jnp.float32),
        scratch_shapes=[pltpu.VMEM((_HIDDEN, _BATCH), jnp.float32)],
    )(xs, projt)


def kernel(indices, embedding, projection_matrix):
    xs = _make_sc_gather()(indices.astype(jnp.int32), embedding.T)
    return _tc_matmul(xs, projection_matrix.T)

# --- scband reference (transcript-rebuilt; emitter-appended) ---
"""Pipeline reference for scband-big-lm-22333829939709 (READ-ONLY COPY).

The authoritative reference and input builder live on the scoring server;
editing this copy changes nothing except your own understanding.
"""

import jax, jax.numpy as jnp
import numpy as np

NUM_CHARS = 100000
HIDDEN = 16
BATCH = 1024

def setup_inputs(seed: int = 0) -> dict:
    key = jax.random.key(seed)
    k_idx, k_emb, k_proj = jax.random.split(key, 3)
    indices = jax.random.randint(k_idx, (BATCH,), 0, NUM_CHARS, dtype=jnp.int64 if jax.config.jax_enable_x64 else jnp.int32)
    embedding = jax.random.normal(k_emb, (NUM_CHARS, HIDDEN), dtype=jnp.float32)
    projection_matrix = jax.random.uniform(k_proj, (NUM_CHARS, HIDDEN), dtype=jnp.float32)
    return {"indices": indices, "embedding": embedding, "projection_matrix": projection_matrix}

def reference(indices, embedding, projection_matrix):
    # X = self.embedding(indices) -> gather rows
    X = jnp.take(embedding, indices, axis=0)  # [B, H]
    # Y = projection_matrix @ X.T -> [num_chars, B]
    Y = jnp.matmul(projection_matrix, X.T)
    return Y

if __name__ == "__main__":
    import jax
    _d = setup_inputs()
    print(jax.jit(kernel)(*tuple(_d.values())))

</pallas_src>

<mosaic_0001>
#map = affine_map<(d0, d1) -> (0)>
#map1 = affine_map<(d0, d1) -> (0, 0)>
#map2 = affine_map<(d0, d1) -> (0, 0, 0)>
module attributes {stable_mosaic.version = 14 : i64} {
  func.func @gather_k(%arg0: i32, %arg1: i32, %arg2: memref<1024xi32, #tpu.memory_space<hbm>>, %arg3: memref<16x100000xf32, #tpu.memory_space<hbm>>, %arg4: memref<32x16x1024xf32, #tpu.memory_space<hbm>>, %arg5: memref<1024xi32, #tpu.memory_space<vmem>>, %arg6: memref<16x3200xf32, #tpu.memory_space<vmem>>, %arg7: memref<16x1024xf32, #tpu.memory_space<vmem>>, %arg8: memref<!tpu.dma_semaphore, #tpu.memory_space<semaphore_mem>>, %arg9: memref<!tpu.dma_semaphore, #tpu.memory_space<semaphore_mem>>) attributes {dimension_semantics = [#tpu.dimension_semantics<core_parallel>, #tpu.dimension_semantics<subcore_parallel>], iteration_bounds = array<i64: 2, 16>, scalar_prefetch = 0 : i64, scratch_operands = 5 : i64, tpu.core_type = #tpu.core_type<sc_vector_subcore>, window_params = [{transform_indices = #map}, {transform_indices = #map1}, {transform_indices = #map2}]} {
    %mul3A = arith.constant 2 : i32
    %mul3A_0 = arith.muli %arg1, %mul3A : i32
    %add3A = arith.addi %mul3A_0, %arg0 : i32
    %mul3A_1 = arith.constant 782 : i32
    %mul3A_2 = arith.muli %mul3A_1, %add3A : i32
    %jit3A = arith.constant 32 : i32
    %div3A = arith.divsi %mul3A_2, %jit3A : i32
    %sign3A = arith.constant 0 : i32
    %sign3A_3 = arith.cmpi sgt, %mul3A_2, %sign3A : i32
    %sign3A_4 = arith.extui %sign3A_3 : i1 to i32
    %sign3A_5 = arith.constant 0 : i32
    %sign3A_6 = arith.cmpi slt, %mul3A_2, %sign3A_5 : i32
    %sign3A_7 = arith.extui %sign3A_6 : i1 to i32
    %sign3A_8 = arith.subi %sign3A_4, %sign3A_7 : i32
    %sign3A_9 = arith.constant 0 : i32
    %sign3A_10 = arith.cmpi sgt, %jit3A, %sign3A_9 : i32
    %sign3A_11 = arith.extui %sign3A_10 : i1 to i32
    %sign3A_12 = arith.constant 0 : i32
    %sign3A_13 = arith.cmpi slt, %jit3A, %sign3A_12 : i32
    %sign3A_14 = arith.extui %sign3A_13 : i1 to i32
    %sign3A_15 = arith.subi %sign3A_11, %sign3A_14 : i32
    %ne3A = arith.cmpi ne, %sign3A_8, %sign3A_15 : i32
    %rem3A = arith.remsi %mul3A_2, %jit3A : i32
    %ne3A_16 = arith.constant 0 : i32
    %ne3A_17 = arith.cmpi ne, %rem3A, %ne3A_16 : i32
    %and3A = arith.andi %ne3A, %ne3A_17 : i1
    %sub3A = arith.constant 1 : i32
    %sub3A_18 = arith.subi %div3A, %sub3A : i32
    %select_n3A = arith.select %and3A, %sub3A_18, %div3A : i32
    %add3A_19 = arith.constant 1 : i32
    %add3A_20 = arith.addi %add3A, %add3A_19 : i32
    %mul3A_21 = arith.constant 782 : i32
    %mul3A_22 = arith.muli %mul3A_21, %add3A_20 : i32
    %jit3A_23 = arith.constant 32 : i32
    %div3A_24 = arith.divsi %mul3A_22, %jit3A_23 : i32
    %sign3A_25 = arith.constant 0 : i32
    %sign3A_26 = arith.cmpi sgt, %mul3A_22, %sign3A_25 : i32
    %sign3A_27 = arith.extui %sign3A_26 : i1 to i32
    %sign3A_28 = arith.constant 0 : i32
    %sign3A_29 = arith.cmpi slt, %mul3A_22, %sign3A_28 : i32
    %sign3A_30 = arith.extui %sign3A_29 : i1 to i32
    %sign3A_31 = arith.subi %sign3A_27, %sign3A_30 : i32
    %sign3A_32 = arith.constant 0 : i32
    %sign3A_33 = arith.cmpi sgt, %jit3A_23, %sign3A_32 : i32
    %sign3A_34 = arith.extui %sign3A_33 : i1 to i32
    %sign3A_35 = arith.constant 0 : i32
    %sign3A_36 = arith.cmpi slt, %jit3A_23, %sign3A_35 : i32
    %sign3A_37 = arith.extui %sign3A_36 : i1 to i32
    %sign3A_38 = arith.subi %sign3A_34, %sign3A_37 : i32
    %ne3A_39 = arith.cmpi ne, %sign3A_31, %sign3A_38 : i32
    %rem3A_40 = arith.remsi %mul3A_22, %jit3A_23 : i32
    %ne3A_41 = arith.constant 0 : i32
    %ne3A_42 = arith.cmpi ne, %rem3A_40, %ne3A_41 : i32
    %and3A_43 = arith.andi %ne3A_39, %ne3A_42 : i1
    %sub3A_44 = arith.constant 1 : i32
    %sub3A_45 = arith.subi %div3A_24, %sub3A_44 : i32
    %select_n3A_46 = arith.select %and3A_43, %sub3A_45, %div3A_24 : i32
    %mul3A_47 = arith.constant 128 : i32
    %mul3A_48 = arith.muli %select_n3A, %mul3A_47 : i32
    %mul3A_49 = arith.constant 128 : i32
    %mul3A_50 = arith.muli %select_n3A_46, %mul3A_49 : i32
    tpu.enqueue_dma source(%arg2 : memref<1024xi32, #tpu.memory_space<hbm>>) target(%arg5 : memref<1024xi32, #tpu.memory_space<vmem>>) target_semaphore(%arg8 : memref<!tpu.dma_semaphore, #tpu.memory_space<semaphore_mem>>)
    %multiple_of3A = tpu.assume_multiple %mul3A_48, 128 : i32
    %dma_start3A = arith.constant 0 : i32
    %dma_start3A_51 = tpu.memref_slice %arg3[%dma_start3A, %multiple_of3A] : memref<16x100000xf32, #tpu.memory_space<hbm>> -> memref<16x3200xf32, #tpu.memory_space<hbm>>
    %dma_start3A_52 = arith.constant 0 : i32
    %dma_start3A_53 = tpu.memref_slice %arg3[%dma_start3A_52, %multiple_of3A] : memref<16x100000xf32, #tpu.memory_space<hbm>> -> memref<16x3200xf32, #tpu.memory_space<hbm>>
    tpu.enqueue_dma source(%dma_start3A_53 : memref<16x3200xf32, #tpu.memory_space<hbm>>) target(%arg6 : memref<16x3200xf32, #tpu.memory_space<vmem>>) target_semaphore(%arg9 : memref<!tpu.dma_semaphore, #tpu.memory_space<semaphore_mem>>)
    tpu.wait_dma2 semaphore(%arg8 : memref<!tpu.dma_semaphore, #tpu.memory_space<semaphore_mem>>) src(%arg2 : memref<1024xi32, #tpu.memory_space<hbm>>) dst(%arg5 : memref<1024xi32, #tpu.memory_space<vmem>>)
    %dma_wait3A = arith.constant 0 : i32
    %dma_wait3A_54 = tpu.memref_slice %arg3[%dma_wait3A, %multiple_of3A] : memref<16x100000xf32, #tpu.memory_space<hbm>> -> memref<16x3200xf32, #tpu.memory_space<hbm>>
    %dma_wait3A_55 = arith.constant 0 : i32
    %dma_wait3A_56 = tpu.memref_slice %arg3[%dma_wait3A_55, %multiple_of3A] : memref<16x100000xf32, #tpu.memory_space<hbm>> -> memref<16x3200xf32, #tpu.memory_space<hbm>>
    tpu.wait_dma2 semaphore(%arg9 : memref<!tpu.dma_semaphore, #tpu.memory_space<semaphore_mem>>) src(%dma_wait3A_56 : memref<16x3200xf32, #tpu.memory_space<hbm>>) dst(%arg6 : memref<16x3200xf32, #tpu.memory_space<vmem>>)
    %iota3A = tpu.iota {dimensions = array<i32: 0>} : vector<16xi32>
    %broadcast_in_dim3A = arith.constant 0.000000e+00 : f32
    %broadcast_in_dim3A_57 = vector.broadcast %broadcast_in_dim3A : f32 to vector<16xf32>
    %scan3A = arith.constant 0 : i32
    %scan3A_58 = arith.constant 0 : i32
    %scan3A_59 = arith.constant 64 : i32
    %scan3A_60 = arith.addi %scan3A_58, %scan3A_59 : i32
    %scan3A_61 = arith.constant 1 : i32
    scf.for %scan3A_63 = %scan3A_58 to %scan3A_60 step %scan3A_61  : i32 {
      %mul3A_64 = arith.constant 16 : i32
      %mul3A_65 = arith.muli %scan3A_63, %mul3A_64 : i32
      %get3A = arith.index_cast %mul3A_65 : i32 to index
      %get3A_66 = tpu.vector_load %arg5[%get3A] {strides = array<i32>} : memref<1024xi32, #tpu.memory_space<vmem>>, vector<16xi32>,
      %ge3A = vector.broadcast %mul3A_48 : i32 to vector<16xi32>
      %ge3A_67 = arith.cmpi sge, %get3A_66, %ge3A : vector<16xi32>
      %lt3A = vector.broadcast %mul3A_50 : i32 to vector<16xi32>
      %lt3A_68 = arith.cmpi slt, %get3A_66, %lt3A : vector<16xi32>
      %and3A_69 = arith.andi %ge3A_67, %lt3A_68 : vector<16xi1>
      %sub3A_70 = vector.broadcast %mul3A_48 : i32 to vector<16xi32>
      %sub3A_71 = arith.subi %get3A_66, %sub3A_70 : vector<16xi32>
      %jit3A_72 = arith.constant 0 : i32
      %jit3A_73 = arith.constant 3199 : i32
      %max3A = vector.broadcast %jit3A_72 : i32 to vector<16xi32>
      %max3A_74 = arith.maxsi %max3A, %sub3A_71 : vector<16xi32>
      %min3A = vector.broadcast %jit3A_73 : i32 to vector<16xi32>
      %min3A_75 = arith.minsi %min3A, %max3A_74 : vector<16xi32>
      %mul3A_76 = arith.constant 16 : i32
      %mul3A_77 = arith.muli %scan3A_63, %mul3A_76 : i32
      %add3A_78 = vector.broadcast %mul3A_77 : i32 to vector<16xi32>
      %add3A_79 = arith.addi %add3A_78, %iota3A : vector<16xi32>
      %reduce_or3A = arith.constant 1.000000e+00 : f32
      %reduce_or3A_80 = arith.constant 0.000000e+00 : f32
      %reduce_or3A_81 = vector.broadcast %reduce_or3A : f32 to vector<16xf32>
      %reduce_or3A_82 = vector.broadcast %reduce_or3A_80 : f32 to vector<16xf32>
      %reduce_or3A_83 = arith.select %and3A_69, %reduce_or3A_81, %reduce_or3A_82 : vector<16xi1>, vector<16xf32>
      %reduce_or3A_84 = arith.constant true
      %reduce_or3A_85 = vector.broadcast %reduce_or3A_84 : i1 to vector<16xi1>
      %reduce_or3A_86 = tpu.scan <max>, %reduce_or3A_83 masked %reduce_or3A_85 : vector<16xf32>, vector<16xi1> -> vector<16xf32>
      %reduce_or3A_87 = vector.extract %reduce_or3A_86[15] : f32 from vector<16xf32>
      %reduce_or3A_88 = arith.constant 0.000000e+00 : f32
      %reduce_or3A_89 = arith.cmpf ogt, %reduce_or3A_87, %reduce_or3A_88 : f32
      %convert_element_type3A = arith.extui %reduce_or3A_89 : i1 to i32
      %cond3A = arith.constant 0 : i32
      %cond3A_90 = arith.cmpi ne, %convert_element_type3A, %cond3A : i32
      scf.if %cond3A_90 {
        %broadcast_in_dim3A_91 = arith.constant 0 : i32
        %broadcast_in_dim3A_92 = vector.broadcast %broadcast_in_dim3A_91 : i32 to vector<16xi32>
        %gather3A = tpu.vector_load_idx %arg6[%broadcast_in_dim3A_92, %min3A_75] : memref<16x3200xf32, #tpu.memory_space<vmem>>[vector<16xi32>, vector<16xi32>], vector<16xf32>,
        %jit3A_93 = arith.constant 0.000000e+00 : f32
        %broadcast_in_dim3A_94 = vector.broadcast %jit3A_93 : f32 to vector<16xf32>
        %select_n3A_95 = arith.select %and3A_69, %gather3A, %broadcast_in_dim3A_94 : vector<16xi1>, vector<16xf32>
        tpu.vector_store_idx %arg7[%broadcast_in_dim3A_92, %add3A_79], %select_n3A_95 : memref<16x1024xf32, #tpu.memory_space<vmem>>[vector<16xi32>, vector<16xi32>], vector<16xf32>,
        %broadcast_in_dim3A_96 = arith.constant 1 : i32
        %broadcast_in_dim3A_97 = vector.broadcast %broadcast_in_dim3A_96 : i32 to vector<16xi32>
        %gather3A_98 = tpu.vector_load_idx %arg6[%broadcast_in_dim3A_97, %min3A_75] : memref<16x3200xf32, #tpu.memory_space<vmem>>[vector<16xi32>, vector<16xi32>], vector<16xf32>,
        %jit3A_99 = arith.constant 0.000000e+00 : f32
        %broadcast_in_dim3A_100 = vector.broadcast %jit3A_99 : f32 to vector<16xf32>
        %select_n3A_101 = arith.select %and3A_69, %gather3A_98, %broadcast_in_dim3A_100 : vector<16xi1>, vector<16xf32>
        tpu.vector_store_idx %arg7[%broadcast_in_dim3A_97, %add3A_79], %select_n3A_101 : memref<16x1024xf32, #tpu.memory_space<vmem>>[vector<16xi32>, vector<16xi32>], vector<16xf32>,
        %broadcast_in_dim3A_102 = arith.constant 2 : i32
        %broadcast_in_dim3A_103 = vector.broadcast %broadcast_in_dim3A_102 : i32 to vector<16xi32>
        %gather3A_104 = tpu.vector_load_idx %arg6[%broadcast_in_dim3A_103, %min3A_75] : memref<16x3200xf32, #tpu.memory_space<vmem>>[vector<16xi32>, vector<16xi32>], vector<16xf32>,
        %jit3A_105 = arith.constant 0.000000e+00 : f32
        %broadcast_in_dim3A_106 = vector.broadcast %jit3A_105 : f32 to vector<16xf32>
        %select_n3A_107 = arith.select %and3A_69, %gather3A_104, %broadcast_in_dim3A_106 : vector<16xi1>, vector<16xf32>
        tpu.vector_store_idx %arg7[%broadcast_in_dim3A_103, %add3A_79], %select_n3A_107 : memref<16x1024xf32, #tpu.memory_space<vmem>>[vector<16xi32>, vector<16xi32>], vector<16xf32>,
        %broadcast_in_dim3A_108 = arith.constant 3 : i32
        %broadcast_in_dim3A_109 = vector.broadcast %broadcast_in_dim3A_108 : i32 to vector<16xi32>
        %gather3A_110 = tpu.vector_load_idx %arg6[%broadcast_in_dim3A_109, %min3A_75] : memref<16x3200xf32, #tpu.memory_space<vmem>>[vector<16xi32>, vector<16xi32>], vector<16xf32>,
        %jit3A_111 = arith.constant 0.000000e+00 : f32
        %broadcast_in_dim3A_112 = vector.broadcast %jit3A_111 : f32 to vector<16xf32>
        %select_n3A_113 = arith.select %and3A_69, %gather3A_110, %broadcast_in_dim3A_112 : vector<16xi1>, vector<16xf32>
        tpu.vector_store_idx %arg7[%broadcast_in_dim3A_109, %add3A_79], %select_n3A_113 : memref<16x1024xf32, #tpu.memory_space<vmem>>[vector<16xi32>, vector<16xi32>], vector<16xf32>,
        %broadcast_in_dim3A_114 = arith.constant 4 : i32
        %broadcast_in_dim3A_115 = vector.broadcast %broadcast_in_dim3A_114 : i32 to vector<16xi32>
        %gather3A_116 = tpu.vector_load_idx %arg6[%broadcast_in_dim3A_115, %min3A_75] : memref<16x3200xf32, #tpu.memory_space<vmem>>[vector<16xi32>, vector<16xi32>], vector<16xf32>,
        %jit3A_117 = arith.constant 0.000000e+00 : f32
        %broadcast_in_dim3A_118 = vector.broadcast %jit3A_117 : f32 to vector<16xf32>
        %select_n3A_119 = arith.select %and3A_69, %gather3A_116, %broadcast_in_dim3A_118 : vector<16xi1>, vector<16xf32>
        tpu.vector_store_idx %arg7[%broadcast_in_dim3A_115, %add3A_79], %select_n3A_119 : memref<16x1024xf32, #tpu.memory_space<vmem>>[vector<16xi32>, vector<16xi32>], vector<16xf32>,
        %broadcast_in_dim3A_120 = arith.constant 5 : i32
        %broadcast_in_dim3A_121 = vector.broadcast %broadcast_in_dim3A_120 : i32 to vector<16xi32>
        %gather3A_122 = tpu.vector_load_idx %arg6[%broadcast_in_dim3A_121, %min3A_75] : memref<16x3200xf32, #tpu.memory_space<vmem>>[vector<16xi32>, vector<16xi32>], vector<16xf32>,
        %jit3A_123 = arith.constant 0.000000e+00 : f32
        %broadcast_in_dim3A_124 = vector.broadcast %jit3A_123 : f32 to vector<16xf32>
        %select_n3A_125 = arith.select %and3A_69, %gather3A_122, %broadcast_in_dim3A_124 : vector<16xi1>, vector<16xf32>
        tpu.vector_store_idx %arg7[%broadcast_in_dim3A_121, %add3A_79], %select_n3A_125 : memref<16x1024xf32, #tpu.memory_space<vmem>>[vector<16xi32>, vector<16xi32>], vector<16xf32>,
        %broadcast_in_dim3A_126 = arith.constant 6 : i32
        %broadcast_in_dim3A_127 = vector.broadcast %broadcast_in_dim3A_126 : i32 to vector<16xi32>
        %gather3A_128 = tpu.vector_load_idx %arg6[%broadcast_in_dim3A_127, %min3A_75] : memref<16x3200xf32, #tpu.memory_space<vmem>>[vector<16xi32>, vector<16xi32>], vector<16xf32>,
        %jit3A_129 = arith.constant 0.000000e+00 : f32
        %broadcast_in_dim3A_130 = vector.broadcast %jit3A_129 : f32 to vector<16xf32>
        %select_n3A_131 = arith.select %and3A_69, %gather3A_128, %broadcast_in_dim3A_130 : vector<16xi1>, vector<16xf32>
        tpu.vector_store_idx %arg7[%broadcast_in_dim3A_127, %add3A_79], %select_n3A_131 : memref<16x1024xf32, #tpu.memory_space<vmem>>[vector<16xi32>, vector<16xi32>], vector<16xf32>,
        %broadcast_in_dim3A_132 = arith.constant 7 : i32
        %broadcast_in_dim3A_133 = vector.broadcast %broadcast_in_dim3A_132 : i32 to vector<16xi32>
        %gather3A_134 = tpu.vector_load_idx %arg6[%broadcast_in_dim3A_133, %min3A_75] : memref<16x3200xf32, #tpu.memory_space<vmem>>[vector<16xi32>, vector<16xi32>], vector<16xf32>,
        %jit3A_135 = arith.constant 0.000000e+00 : f32
        %broadcast_in_dim3A_136 = vector.broadcast %jit3A_135 : f32 to vector<16xf32>
        %select_n3A_137 = arith.select %and3A_69, %gather3A_134, %broadcast_in_dim3A_136 : vector<16xi1>, vector<16xf32>
        tpu.vector_store_idx %arg7[%broadcast_in_dim3A_133, %add3A_79], %select_n3A_137 : memref<16x1024xf32, #tpu.memory_space<vmem>>[vector<16xi32>, vector<16xi32>], vector<16xf32>,
        %broadcast_in_dim3A_138 = arith.constant 8 : i32
        %broadcast_in_dim3A_139 = vector.broadcast %broadcast_in_dim3A_138 : i32 to vector<16xi32>
        %gather3A_140 = tpu.vector_load_idx %arg6[%broadcast_in_dim3A_139, %min3A_75] : memref<16x3200xf32, #tpu.memory_space<vmem>>[vector<16xi32>, vector<16xi32>], vector<16xf32>,
        %jit3A_141 = arith.constant 0.000000e+00 : f32
        %broadcast_in_dim3A_142 = vector.broadcast %jit3A_141 : f32 to vector<16xf32>
        %select_n3A_143 = arith.select %and3A_69, %gather3A_140, %broadcast_in_dim3A_142 : vector<16xi1>, vector<16xf32>
        tpu.vector_store_idx %arg7[%broadcast_in_dim3A_139, %add3A_79], %select_n3A_143 : memref<16x1024xf32, #tpu.memory_space<vmem>>[vector<16xi32>, vector<16xi32>], vector<16xf32>,
        %broadcast_in_dim3A_144 = arith.constant 9 : i32
        %broadcast_in_dim3A_145 = vector.broadcast %broadcast_in_dim3A_144 : i32 to vector<16xi32>
        %gather3A_146 = tpu.vector_load_idx %arg6[%broadcast_in_dim3A_145, %min3A_75] : memref<16x3200xf32, #tpu.memory_space<vmem>>[vector<16xi32>, vector<16xi32>], vector<16xf32>,
        %jit3A_147 = arith.constant 0.000000e+00 : f32
        %broadcast_in_dim3A_148 = vector.broadcast %jit3A_147 : f32 to vector<16xf32>
        %select_n3A_149 = arith.select %and3A_69, %gather3A_146, %broadcast_in_dim3A_148 : vector<16xi1>, vector<16xf32>
        tpu.vector_store_idx %arg7[%broadcast_in_dim3A_145, %add3A_79], %select_n3A_149 : memref<16x1024xf32, #tpu.memory_space<vmem>>[vector<16xi32>, vector<16xi32>], vector<16xf32>,
        %broadcast_in_dim3A_150 = arith.constant 10 : i32
        %broadcast_in_dim3A_151 = vector.broadcast %broadcast_in_dim3A_150 : i32 to vector<16xi32>
        %gather3A_152 = tpu.vector_load_idx %arg6[%broadcast_in_dim3A_151, %min3A_75] : memref<16x3200xf32, #tpu.memory_space<vmem>>[vector<16xi32>, vector<16xi32>], vector<16xf32>,
        %jit3A_153 = arith.constant 0.000000e+00 : f32
        %broadcast_in_dim3A_154 = vector.broadcast %jit3A_153 : f32 to vector<16xf32>
        %select_n3A_155 = arith.select %and3A_69, %gather3A_152, %broadcast_in_dim3A_154 : vector<16xi1>, vector<16xf32>
        tpu.vector_store_idx %arg7[%broadcast_in_dim3A_151, %add3A_79], %select_n3A_155 : memref<16x1024xf32, #tpu.memory_space<vmem>>[vector<16xi32>, vector<16xi32>], vector<16xf32>,
        %broadcast_in_dim3A_156 = arith.constant 11 : i32
        %broadcast_in_dim3A_157 = vector.broadcast %broadcast_in_dim3A_156 : i32 to vector<16xi32>
        %gather3A_158 = tpu.vector_load_idx %arg6[%broadcast_in_dim3A_157, %min3A_75] : memref<16x3200xf32, #tpu.memory_space<vmem>>[vector<16xi32>, vector<16xi32>], vector<16xf32>,
        %jit3A_159 = arith.constant 0.000000e+00 : f32
        %broadcast_in_dim3A_160 = vector.broadcast %jit3A_159 : f32 to vector<16xf32>
        %select_n3A_161 = arith.select %and3A_69, %gather3A_158, %broadcast_in_dim3A_160 : vector<16xi1>, vector<16xf32>
        tpu.vector_store_idx %arg7[%broadcast_in_dim3A_157, %add3A_79], %select_n3A_161 : memref<16x1024xf32, #tpu.memory_space<vmem>>[vector<16xi32>, vector<16xi32>], vector<16xf32>,
        %broadcast_in_dim3A_162 = arith.constant 12 : i32
        %broadcast_in_dim3A_163 = vector.broadcast %broadcast_in_dim3A_162 : i32 to vector<16xi32>
        %gather3A_164 = tpu.vector_load_idx %arg6[%broadcast_in_dim3A_163, %min3A_75] : memref<16x3200xf32, #tpu.memory_space<vmem>>[vector<16xi32>, vector<16xi32>], vector<16xf32>,
        %jit3A_165 = arith.constant 0.000000e+00 : f32
        %broadcast_in_dim3A_166 = vector.broadcast %jit3A_165 : f32 to vector<16xf32>
        %select_n3A_167 = arith.select %and3A_69, %gather3A_164, %broadcast_in_dim3A_166 : vector<16xi1>, vector<16xf32>
        tpu.vector_store_idx %arg7[%broadcast_in_dim3A_163, %add3A_79], %select_n3A_167 : memref<16x1024xf32, #tpu.memory_space<vmem>>[vector<16xi32>, vector<16xi32>], vector<16xf32>,
        %broadcast_in_dim3A_168 = arith.constant 13 : i32
        %broadcast_in_dim3A_169 = vector.broadcast %broadcast_in_dim3A_168 : i32 to vector<16xi32>
        %gather3A_170 = tpu.vector_load_idx %arg6[%broadcast_in_dim3A_169, %min3A_75] : memref<16x3200xf32, #tpu.memory_space<vmem>>[vector<16xi32>, vector<16xi32>], vector<16xf32>,
        %jit3A_171 = arith.constant 0.000000e+00 : f32
        %broadcast_in_dim3A_172 = vector.broadcast %jit3A_171 : f32 to vector<16xf32>
        %select_n3A_173 = arith.select %and3A_69, %gather3A_170, %broadcast_in_dim3A_172 : vector<16xi1>, vector<16xf32>
        tpu.vector_store_idx %arg7[%broadcast_in_dim3A_169, %add3A_79], %select_n3A_173 : memref<16x1024xf32, #tpu.memory_space<vmem>>[vector<16xi32>, vector<16xi32>], vector<16xf32>,
        %broadcast_in_dim3A_174 = arith.constant 14 : i32
        %broadcast_in_dim3A_175 = vector.broadcast %broadcast_in_dim3A_174 : i32 to vector<16xi32>
        %gather3A_176 = tpu.vector_load_idx %arg6[%broadcast_in_dim3A_175, %min3A_75] : memref<16x3200xf32, #tpu.memory_space<vmem>>[vector<16xi32>, vector<16xi32>], vector<16xf32>,
        %jit3A_177 = arith.constant 0.000000e+00 : f32
        %broadcast_in_dim3A_178 = vector.broadcast %jit3A_177 : f32 to vector<16xf32>
        %select_n3A_179 = arith.select %and3A_69, %gather3A_176, %broadcast_in_dim3A_178 : vector<16xi1>, vector<16xf32>
        tpu.vector_store_idx %arg7[%broadcast_in_dim3A_175, %add3A_79], %select_n3A_179 : memref<16x1024xf32, #tpu.memory_space<vmem>>[vector<16xi32>, vector<16xi32>], vector<16xf32>,
        %broadcast_in_dim3A_180 = arith.constant 15 : i32
        %broadcast_in_dim3A_181 = vector.broadcast %broadcast_in_dim3A_180 : i32 to vector<16xi32>
        %gather3A_182 = tpu.vector_load_idx %arg6[%broadcast_in_dim3A_181, %min3A_75] : memref<16x3200xf32, #tpu.memory_space<vmem>>[vector<16xi32>, vector<16xi32>], vector<16xf32>,
        %jit3A_183 = arith.constant 0.000000e+00 : f32
        %broadcast_in_dim3A_184 = vector.broadcast %jit3A_183 : f32 to vector<16xf32>
        %select_n3A_185 = arith.select %and3A_69, %gather3A_182, %broadcast_in_dim3A_184 : vector<16xi1>, vector<16xf32>
        tpu.vector_store_idx %arg7[%broadcast_in_dim3A_181, %add3A_79], %select_n3A_185 : memref<16x1024xf32, #tpu.memory_space<vmem>>[vector<16xi32>, vector<16xi32>], vector<16xf32>,
      } else {
        %broadcast_in_dim3A_91 = arith.constant 0 : i32
        %broadcast_in_dim3A_92 = vector.broadcast %broadcast_in_dim3A_91 : i32 to vector<16xi32>
        tpu.vector_store_idx %arg7[%broadcast_in_dim3A_92, %add3A_79], %broadcast_in_dim3A_57 : memref<16x1024xf32, #tpu.memory_space<vmem>>[vector<16xi32>, vector<16xi32>], vector<16xf32>,
        %broadcast_in_dim3A_93 = arith.constant 1 : i32
        %broadcast_in_dim3A_94 = vector.broadcast %broadcast_in_dim3A_93 : i32 to vector<16xi32>
        tpu.vector_store_idx %arg7[%broadcast_in_dim3A_94, %add3A_79], %broadcast_in_dim3A_57 : memref<16x1024xf32, #tpu.memory_space<vmem>>[vector<16xi32>, vector<16xi32>], vector<16xf32>,
        %broadcast_in_dim3A_95 = arith.constant 2 : i32
        %broadcast_in_dim3A_96 = vector.broadcast %broadcast_in_dim3A_95 : i32 to vector<16xi32>
        tpu.vector_store_idx %arg7[%broadcast_in_dim3A_96, %add3A_79], %broadcast_in_dim3A_57 : memref<16x1024xf32, #tpu.memory_space<vmem>>[vector<16xi32>, vector<16xi32>], vector<16xf32>,
        %broadcast_in_dim3A_97 = arith.constant 3 : i32
        %broadcast_in_dim3A_98 = vector.broadcast %broadcast_in_dim3A_97 : i32 to vector<16xi32>
        tpu.vector_store_idx %arg7[%broadcast_in_dim3A_98, %add3A_79], %broadcast_in_dim3A_57 : memref<16x1024xf32, #tpu.memory_space<vmem>>[vector<16xi32>, vector<16xi32>], vector<16xf32>,
        %broadcast_in_dim3A_99 = arith.constant 4 : i32
        %broadcast_in_dim3A_100 = vector.broadcast %broadcast_in_dim3A_99 : i32 to vector<16xi32>
        tpu.vector_store_idx %arg7[%broadcast_in_dim3A_100, %add3A_79], %broadcast_in_dim3A_57 : memref<16x1024xf32, #tpu.memory_space<vmem>>[vector<16xi32>, vector<16xi32>], vector<16xf32>,
        %broadcast_in_dim3A_101 = arith.constant 5 : i32
        %broadcast_in_dim3A_102 = vector.broadcast %broadcast_in_dim3A_101 : i32 to vector<16xi32>
        tpu.vector_store_idx %arg7[%broadcast_in_dim3A_102, %add3A_79], %broadcast_in_dim3A_57 : memref<16x1024xf32, #tpu.memory_space<vmem>>[vector<16xi32>, vector<16xi32>], vector<16xf32>,
        %broadcast_in_dim3A_103 = arith.constant 6 : i32
        %broadcast_in_dim3A_104 = vector.broadcast %broadcast_in_dim3A_103 : i32 to vector<16xi32>
        tpu.vector_store_idx %arg7[%broadcast_in_dim3A_104, %add3A_79], %broadcast_in_dim3A_57 : memref<16x1024xf32, #tpu.memory_space<vmem>>[vector<16xi32>, vector<16xi32>], vector<16xf32>,
        %broadcast_in_dim3A_105 = arith.constant 7 : i32
        %broadcast_in_dim3A_106 = vector.broadcast %broadcast_in_dim3A_105 : i32 to vector<16xi32>
        tpu.vector_store_idx %arg7[%broadcast_in_dim3A_106, %add3A_79], %broadcast_in_dim3A_57 : memref<16x1024xf32, #tpu.memory_space<vmem>>[vector<16xi32>, vector<16xi32>], vector<16xf32>,
        %broadcast_in_dim3A_107 = arith.constant 8 : i32
        %broadcast_in_dim3A_108 = vector.broadcast %broadcast_in_dim3A_107 : i32 to vector<16xi32>
        tpu.vector_store_idx %arg7[%broadcast_in_dim3A_108, %add3A_79], %broadcast_in_dim3A_57 : memref<16x1024xf32, #tpu.memory_space<vmem>>[vector<16xi32>, vector<16xi32>], vector<16xf32>,
        %broadcast_in_dim3A_109 = arith.constant 9 : i32
        %broadcast_in_dim3A_110 = vector.broadcast %broadcast_in_dim3A_109 : i32 to vector<16xi32>
        tpu.vector_store_idx %arg7[%broadcast_in_dim3A_110, %add3A_79], %broadcast_in_dim3A_57 : memref<16x1024xf32, #tpu.memory_space<vmem>>[vector<16xi32>, vector<16xi32>], vector<16xf32>,
        %broadcast_in_dim3A_111 = arith.constant 10 : i32
        %broadcast_in_dim3A_112 = vector.broadcast %broadcast_in_dim3A_111 : i32 to vector<16xi32>
        tpu.vector_store_idx %arg7[%broadcast_in_dim3A_112, %add3A_79], %broadcast_in_dim3A_57 : memref<16x1024xf32, #tpu.memory_space<vmem>>[vector<16xi32>, vector<16xi32>], vector<16xf32>,
        %broadcast_in_dim3A_113 = arith.constant 11 : i32
        %broadcast_in_dim3A_114 = vector.broadcast %broadcast_in_dim3A_113 : i32 to vector<16xi32>
        tpu.vector_store_idx %arg7[%broadcast_in_dim3A_114, %add3A_79], %broadcast_in_dim3A_57 : memref<16x1024xf32, #tpu.memory_space<vmem>>[vector<16xi32>, vector<16xi32>], vector<16xf32>,
        %broadcast_in_dim3A_115 = arith.constant 12 : i32
        %broadcast_in_dim3A_116 = vector.broadcast %broadcast_in_dim3A_115 : i32 to vector<16xi32>
        tpu.vector_store_idx %arg7[%broadcast_in_dim3A_116, %add3A_79], %broadcast_in_dim3A_57 : memref<16x1024xf32, #tpu.memory_space<vmem>>[vector<16xi32>, vector<16xi32>], vector<16xf32>,
        %broadcast_in_dim3A_117 = arith.constant 13 : i32
        %broadcast_in_dim3A_118 = vector.broadcast %broadcast_in_dim3A_117 : i32 to vector<16xi32>
        tpu.vector_store_idx %arg7[%broadcast_in_dim3A_118, %add3A_79], %broadcast_in_dim3A_57 : memref<16x1024xf32, #tpu.memory_space<vmem>>[vector<16xi32>, vector<16xi32>], vector<16xf32>,
        %broadcast_in_dim3A_119 = arith.constant 14 : i32
        %broadcast_in_dim3A_120 = vector.broadcast %broadcast_in_dim3A_119 : i32 to vector<16xi32>
        tpu.vector_store_idx %arg7[%broadcast_in_dim3A_120, %add3A_79], %broadcast_in_dim3A_57 : memref<16x1024xf32, #tpu.memory_space<vmem>>[vector<16xi32>, vector<16xi32>], vector<16xf32>,
        %broadcast_in_dim3A_121 = arith.constant 15 : i32
        %broadcast_in_dim3A_122 = vector.broadcast %broadcast_in_dim3A_121 : i32 to vector<16xi32>
        tpu.vector_store_idx %arg7[%broadcast_in_dim3A_122, %add3A_79], %broadcast_in_dim3A_57 : memref<16x1024xf32, #tpu.memory_space<vmem>>[vector<16xi32>, vector<16xi32>], vector<16xf32>,
      }
    }
    %scan3A_62 = arith.constant 64 : i32
    "tpu.region"() ({
      %run_scoped3A = tpu.sem_alloc : memref<!tpu.dma_semaphore, #tpu.memory_space<semaphore_mem>>
      %dma_start3A_63 = arith.constant 0 : i32
      %dma_start3A_64 = arith.constant 0 : i32
      %dma_start3A_65 = tpu.memref_slice %arg4[%add3A, %dma_start3A_63, %dma_start3A_64] : memref<32x16x1024xf32, #tpu.memory_space<hbm>> -> memref<1x16x1024xf32, #tpu.memory_space<hbm>>
      %dma_start3A_66 = tpu.memref_squeeze %dma_start3A_65 : memref<1x16x1024xf32, #tpu.memory_space<hbm>> -> memref<16x1024xf32, #tpu.memory_space<hbm>>
      %dma_start3A_67 = arith.constant 0 : i32
      %dma_start3A_68 = arith.constant 0 : i32
      %dma_start3A_69 = tpu.memref_slice %arg4[%add3A, %dma_start3A_67, %dma_start3A_68] : memref<32x16x1024xf32, #tpu.memory_space<hbm>> -> memref<1x16x1024xf32, #tpu.memory_space<hbm>>
      %dma_start3A_70 = tpu.memref_squeeze %dma_start3A_69 : memref<1x16x1024xf32, #tpu.memory_space<hbm>> -> memref<16x1024xf32, #tpu.memory_space<hbm>>
      tpu.enqueue_dma source(%arg7 : memref<16x1024xf32, #tpu.memory_space<vmem>>) target(%dma_start3A_70 : memref<16x1024xf32, #tpu.memory_space<hbm>>) target_semaphore(%run_scoped3A : memref<!tpu.dma_semaphore, #tpu.memory_space<semaphore_mem>>)
      %dma_wait3A_71 = arith.constant 0 : i32
      %dma_wait3A_72 = arith.constant 0 : i32
      %dma_wait3A_73 = tpu.memref_slice %arg4[%add3A, %dma_wait3A_71, %dma_wait3A_72] : memref<32x16x1024xf32, #tpu.memory_space<hbm>> -> memref<1x16x1024xf32, #tpu.memory_space<hbm>>
      %dma_wait3A_74 = tpu.memref_squeeze %dma_wait3A_73 : memref<1x16x1024xf32, #tpu.memory_space<hbm>> -> memref<16x1024xf32, #tpu.memory_space<hbm>>
      %dma_wait3A_75 = arith.constant 0 : i32
      %dma_wait3A_76 = arith.constant 0 : i32
      %dma_wait3A_77 = tpu.memref_slice %arg4[%add3A, %dma_wait3A_75, %dma_wait3A_76] : memref<32x16x1024xf32, #tpu.memory_space<hbm>> -> memref<1x16x1024xf32, #tpu.memory_space<hbm>>
      %dma_wait3A_78 = tpu.memref_squeeze %dma_wait3A_77 : memref<1x16x1024xf32, #tpu.memory_space<hbm>> -> memref<16x1024xf32, #tpu.memory_space<hbm>>
      tpu.wait_dma2 semaphore(%run_scoped3A : memref<!tpu.dma_semaphore, #tpu.memory_space<semaphore_mem>>) src(%arg7 : memref<16x1024xf32, #tpu.memory_space<vmem>>) dst(%dma_wait3A_78 : memref<16x1024xf32, #tpu.memory_space<hbm>>)
      tpu.yield
    }) : () -> ()
    return
  }
}

module attributes {stable_mosaic.version = 14 : i64} {
  func.func @_matmul_body(%arg0: i32, %arg1: memref<32x16x1024xf32, #tpu.memory_space<vmem>>, %arg2: memref<16x2048xf32, #tpu.memory_space<vmem>>, %arg3: memref<2048x1024xf32, #tpu.memory_space<vmem>>, %arg4: memref<16x1024xf32, #tpu.memory_space<vmem>>) attributes {dimension_semantics = [#tpu.dimension_semantics<arbitrary>], iteration_bounds = array<i64: 49>, scalar_prefetch = 0 : i64, scratch_operands = 1 : i64, tpu.core_type = #tpu.core_type<tc>, window_params = [{pipeline_mode = #tpu.pipeline_mode<synchronous>, transform_indices = @transform_0, window_bounds = array<i64: 32, 16, 1024>}, {transform_indices = @transform_1, window_bounds = array<i64: 16, 2048>}, {transform_indices = @transform_2, window_bounds = array<i64: 2048, 1024>}]} {
    %eq3A = arith.constant 0 : i32
    %eq3A_0 = arith.cmpi eq, %arg0, %eq3A : i32
    %convert_element_type3A = arith.extui %eq3A_0 : i1 to i32
    %cond3A = arith.constant 0 : i32
    %cond3A_1 = arith.cmpi ne, %convert_element_type3A, %cond3A : i32
    scf.if %cond3A_1 {
      %get3A_10 = arith.constant 0 : index
      %get3A_11 = arith.constant 0 : index
      %get3A_12 = arith.constant 0 : index
      %get3A_13 = vector.load %arg1[%get3A_10, %get3A_11, %get3A_12] : memref<32x16x1024xf32, #tpu.memory_space<vmem>>, vector<32x16x1024xf32>
      %reduce_sum3A = arith.constant dense<0.000000e+00> : vector<16x1024xf32>
      %reduce_sum3A_14 = vector.multi_reduction <add>, %get3A_13, %reduce_sum3A [0] : vector<32x16x1024xf32> to vector<16x1024xf32>
      %swap3A_15 = arith.constant 0 : index
      %swap3A_16 = arith.constant 0 : index
      %swap3A_17 = vector.load %arg4[%swap3A_15, %swap3A_16] : memref<16x1024xf32, #tpu.memory_space<vmem>>, vector<16x1024xf32>
      tpu.vector_store %arg4[%swap3A_15, %swap3A_16], %reduce_sum3A_14 {strides = array<i32>} : memref<16x1024xf32, #tpu.memory_space<vmem>>, vector<16x1024xf32>,
    } else {
    }
    %get3A = arith.constant 0 : index
    %get3A_2 = arith.constant 0 : index
    %get3A_3 = vector.load %arg2[%get3A, %get3A_2] : memref<16x2048xf32, #tpu.memory_space<vmem>>, vector<16x2048xf32>
    %get3A_4 = arith.constant 0 : index
    %get3A_5 = arith.constant 0 : index
    %get3A_6 = vector.load %arg4[%get3A_4, %get3A_5] : memref<16x1024xf32, #tpu.memory_space<vmem>>, vector<16x1024xf32>
    %dot_general3A = arith.constant dense<0.000000e+00> : vector<2048x1024xf32>
    %dot_general3A_7 = tpu.matmul %get3A_3, %get3A_6, %dot_general3A {dimension_numbers = #tpu.dot_dimension_numbers<[0], [0], [1], [1], [0, 1, 1, 1], [], []>, transpose_lhs_hint = false} : vector<16x2048xf32>, vector<16x1024xf32>, vector<2048x1024xf32> -> vector<2048x1024xf32>
    %swap3A = arith.constant 0 : index
    %swap3A_8 = arith.constant 0 : index
    %swap3A_9 = vector.load %arg3[%swap3A, %swap3A_8] : memref<2048x1024xf32, #tpu.memory_space<vmem>>, vector<2048x1024xf32>
    tpu.vector_store %arg3[%swap3A, %swap3A_8], %dot_general3A_7 {strides = array<i32>} : memref<2048x1024xf32, #tpu.memory_space<vmem>>, vector<2048x1024xf32>,
    return
  }
  func.func @transform_0(%arg0: i32) -> (i32, i32, i32) {
    %c0_i32 = arith.constant 0 : i32
    %c0_i32_0 = arith.constant 0 : i32
    %c0_i32_1 = arith.constant 0 : i32
    %c0_i32_2 = arith.constant 0 : i32
    return %c0_i32, %c0_i32_0, %c0_i32_1 : i32, i32, i32
  }
  func.func @transform_1(%arg0: i32) -> (i32, i32) {
    %c0_i32 = arith.constant 0 : i32
    %c0_i32_0 = arith.constant 0 : i32
    return %c0_i32, %arg0 : i32, i32
  }
  func.func @transform_2(%arg0: i32) -> (i32, i32) {
    %c0_i32 = arith.constant 0 : i32
    %c0_i32_0 = arith.constant 0 : i32
    return %arg0, %c0_i32 : i32, i32
  }
}

</mosaic_0001>

<sc_bundles>
// kernel: kernel.4.cloned.1.call-start
scs
__scs_entry_jumppad:
0x0: {  	(pc) =	sbr.rel $0x88, $3  }
0x1: {  	(tag) =	ssettag $0x0;
	lr =	simm.s32 $0x1  }
0x2: {  	[smem:$0x3F9E] =	sst lr;
	_ =	strace $0xD0000000  }
0x3: {  	_ = 	snop  }
0x4: {  	_ = 	snop  }
0x5: {  	_ = 	snop  }
0x6: {  	_ = 	snop  }
0x7: {  	_ = 	snop  }
__scs_overlays_trampoline_lowered:
0x8: {  	[smem:$0x3FAD] =	sst s0  }
0x9: {  	[smem:$0x3FAE] =	sst s1  }
0xa: {  	[smem:$0x3FAF] =	sst s2  }
0xb: {  	[smem:$0x3FB0] =	sst s3  }
0xc: {  	[smem:$0x3FB1] =	sst s4  }
0xd: {  	[smem:$0x3FB2] =	sst s5  }
0xe: {  	[smem:$0x3FB3] =	sst s6  }
0xf: {  	[smem:$0x3FB4] =	sst s7  }
0x10: {  	[smem:$0x3FB5] =	sst s8  }
0x11: {  	[smem:$0x3FB6] =	sst s9;
	s0 =	simm.s32 @!p0 $0x0  }
0x12: {  	s1 =	sld [smem:$0x3F9C];
	s0 =	simm.s32 @p0 $0x1  }
0x13: {  	[smem:$0x3FB7] =	sst s0;
	s0 =	simm.s32 @!p1 $0x0  }
0x14: {  	s2 =	sld [smem:$0x3F9B];
	s0 =	simm.s32 @p1 $0x1  }
0x15: {  	[smem:$0x3FB8] =	sst s0;
	s0 =	simm.s32 @!p2 $0x0  }
0x16: {  	s3 =	sld [smem:$0x3FDB];
	s0 =	simm.s32 @p2 $0x1  }
0x17: {  	s4 =	simm.s32 $0x1BF5;
	[smem:$0x3FBA] =	sst s0  }
0x18: {  	s0 =	sld [smem:$0x3F9D];
	_ =	swait.ge [sflag:s4], $0x0  }
0x19: {  	s7 =	sld [smem:$0x3F9E]  }
0x1a: {  	s8 =	sadd.s32 $0xFFFFE003, lr  }
0x1b: {  	s9 =	sadd.s32 $0xFFFFFEF7, lr;
	s5 =	simm.s32 $0xFFFFFFFF;
	p2 =	slt.u32 s8, $0xFFFFF086  }
0x1c: {  	p1 =	slt.u32 s9, $0xF7A;
	s5 =	simm.s32 @!p2 $0x0  }
0x1d: {  	s5 =	simm.s32 @p1 $0x1;
	p0 =	seq.s32 s7, s2  }
0x1e: {  	s7 =	smul.u32 @!p0 $0xF7A, s2;
	p2 =	seq.s32 @!p0 s5, $0x0  }
0x1f: {  	s9 =	smul.u32 $0xF7A, s1;
	s8 =	simm.s32 @!p0 $0x1BF5;
	p2 =	por !p2, p0  }
0x20: {  	[sflag:s8] =	ssyncset.s32 @!p0 $0xFFFFF086;
	s6 =	sadd.s32 @!p0 s3, s7;
	s7 =	simm.s32 @!p0 $0x108  }
0x21: {  	s3 =	sadd.s32 s3, s9;
	s6 =	sadd.s32 @!p0 $0x88, s6;
	s7 =	simm.s32 @p2 $0x1082  }
0x22: {  	[simem:s7], [sflag:s8] =	dma.local @!p0 [hbm:s6], $0xF7A  }
0x23: {  	s9 =	sor.u32 $0xD0000000, s2;
	s6 =	simm.s32 $0x108;
	_ =	swait.ge @!p0 [sflag:s8], $0x0  }
0x24: {  	s3 =	sadd.s32 $0x88, s3;
	s6 =	simm.s32 @!p1 $0x1082;
	[sflag:s4] =	ssyncset.s32 $0xFFFFF086  }
0x25: {  	[simem:s6], [sflag:s4] =	dma.local [hbm:s3], $0xF7A  }
0x26: {  	[smem:$0x3F9E] =	sst s1;
	(tag) =	ssettag s2;
	_ =	strace s9  }
0x27: {  	s1 =	sld [smem:$0x3FAE]  }
0x28: {  	s2 =	sld [smem:$0x3FAF]  }
0x29: {  	s4 =	sld [smem:$0x3FB1]  }
0x2a: {  	p0 =	seq.s32 s5, $0x0;
	s5 =	sld [smem:$0x3FB2]  }
0x2b: {  	s6 =	sld [smem:$0x3FB3]  }
0x2c: {  	s7 =	sld [smem:$0x3FB4]  }
0x2d: {  	s3 =	simm.s32 $0x108;
	s8 =	sld [smem:$0x3FB5]  }
0x2e: {  	s3 =	simm.s32 @!p0 $0x1082;
	s9 =	sld [smem:$0x3FB6]  }
0x2f: {  	lr =	sadd.s32 s0, s3;
	s0 =	sld [smem:$0x3FAD]  }
0x30: {  	s3 =	sld [smem:$0x3FB0]  }
0x31: {  	[smem:$0x3FB9] =	sst s10  }
0x32: {  	s10 =	sld [smem:$0x3FB7];
	_ =	sdelay $0x3  }
0x33: {  	p0 =	seq.s32 s10, $0x1;
	s10 =	sld [smem:$0x3FB9];
	_ =	sdelay $0x3  }
0x34: {  	[smem:$0x3FB9] =	sst s10  }
0x35: {  	s10 =	sld [smem:$0x3FB8];
	_ =	sdelay $0x3  }
0x36: {  	p1 =	seq.s32 s10, $0x1;
	s10 =	sld [smem:$0x3FB9];
	_ =	sdelay $0x3  }
0x37: {  	[smem:$0x3FB9] =	sst s10  }
0x38: {  	s10 =	sld [smem:$0x3FBA]  }
0x39: {  	_ = 	snop;
	(pc) =	sbr.ind lr, $3  }
0x3a: {  	_ = 	snop  }
0x3b: {  	_ = 	snop  }
0x3c: {  	p2 =	seq.s32 s10, $0x1;
	s10 =	sld [smem:$0x3FB9]  }
0x3d: {  	_ =	shalt  }
0x3e: {  	_ =	shalt  }
0x3f: {  	_ =	shalt  }
0x40: {  	_ =	shalt  }
0x41: {  	_ =	shalt  }
0x42: {  	_ =	shalt  }
0x43: {  	_ =	shalt  }
0x44: {  	_ =	shalt  }
0x45: {  	_ =	shalt  }
0x46: {  	_ =	shalt  }
0x47: {  	_ =	shalt  }
0x48: {  	_ =	shalt  }
0x49: {  	_ =	shalt  }
0x4a: {  	_ =	shalt  }
0x4b: {  	_ =	shalt  }
0x4c: {  	_ =	shalt  }
0x4d: {  	_ =	shalt  }
0x4e: {  	_ =	shalt  }
0x4f: {  	_ =	shalt  }
0x50: {  	_ =	shalt  }
0x51: {  	_ =	shalt  }
0x52: {  	_ =	shalt  }
0x53: {  	_ =	shalt  }
0x54: {  	_ =	shalt  }
0x55: {  	_ =	shalt  }
0x56: {  	_ =	shalt  }
0x57: {  	_ =	shalt  }
0x58: {  	_ =	shalt  }
0x59: {  	_ =	shalt  }
0x5a: {  	_ =	shalt  }
0x5b: {  	_ =	shalt  }
0x5c: {  	_ =	shalt  }
0x5d: {  	_ =	shalt  }
0x5e: {  	_ =	shalt  }
0x5f: {  	_ =	shalt  }
0x60: {  	_ =	shalt  }
0x61: {  	_ =	shalt  }
0x62: {  	_ =	shalt  }
0x63: {  	_ =	shalt  }
0x64: {  	_ =	shalt  }
0x65: {  	_ =	shalt  }
0x66: {  	_ =	shalt  }
0x67: {  	_ =	shalt  }
0x68: {  	_ =	shalt  }
0x69: {  	_ =	shalt  }
0x6a: {  	_ =	shalt  }
0x6b: {  	_ =	shalt  }
0x6c: {  	_ =	shalt  }
0x6d: {  	_ =	shalt  }
0x6e: {  	_ =	shalt  }
0x6f: {  	_ =	shalt  }
0x70: {  	_ =	shalt  }
0x71: {  	_ =	shalt  }
0x72: {  	_ =	shalt  }
0x73: {  	_ =	shalt  }
0x74: {  	_ =	shalt  }
0x75: {  	_ =	shalt  }
0x76: {  	_ =	shalt  }
0x77: {  	_ =	shalt  }
0x78: {  	_ =	shalt  }
0x79: {  	_ =	shalt  }
0x7a: {  	_ =	shalt  }
0x7b: {  	_ =	shalt  }
0x7c: {  	_ =	shalt  }
0x7d: {  	_ =	shalt  }
0x7e: {  	_ =	shalt  }
0x7f: {  	_ =	shalt  }
0x80: {  	_ =	shalt  }
0x81: {  	_ =	shalt  }
0x82: {  	_ =	shalt  }
0x83: {  	_ =	shalt  }
0x84: {  	_ =	shalt  }
0x85: {  	_ =	shalt  }
0x86: {  	_ =	shalt  }
0x87: {  	_ =	shalt  }
.Lfunc_end0:
.L_simem_size_0:
called_computation_lowered:
.L_overlay_start_0:
0x88: {  	s2 =	sld [smem:$0x3FD9]  }
0x89: {  	s3 =	sld [smem:$0x3FFE];
	_ =	sdelay $0x1  }
0x8a: {  	s1 =	srdreg.scid  }
0x8b: {  	s0 =	sand.u32 $0x1, s1  }
0x8c: {  	s18 =	sshll.u32 s0, $0xA;
	s2 =	sadd.s32 s3, s2  }
0x8d: {  	s2 =	sadd.s32 s2, s18  }
0x8e: {  	[smem:$0x3FC5] =	sst s2  }
0x8f: {  	_ = 	snop  }
0x90: {  	s2 =	sld [smem:$0x3FC9]  }
0x91: {  	s19 =	sld [smem:$0x3FC8]  }
0x92: {  	s4 =	sld [smem:$0x3FD0];
	(tm) =	ssettm $0x1  }
0x93: {  	s5 =	sld [smem:$0x3FFB];
	_ =	sdelay $0x3  }
0x94: {  	_ =	strace s5  }
0x95: {  	s5 =	sld [smem:$0x3FFC];
	_ =	sdelay $0x3  }
0x96: {  	_ =	strace s5  }
0x97: {  	s5 =	sld [smem:$0x3FFD];
	_ =	sdelay $0x3  }
0x98: {  	_ =	strace s5  }
0x99: {  	_ =	strace $0x8FFFFFFF  }
0x9a: {  	s20 =	sld [smem:$0x3FDB];
	_ =	sdelay $0x1  }
0x9b: {  	s6 =	simm.s32 $_scs_section_size  }
0x9c: {  	s7 =	simm.s32 $_size__tile_overlayer_lowered;
	s8 =	simm.s32 $_tile_overlayer_lowered  }
0x9d: {  	s23 =	simm.s32 $0x1BFF;
	s22 =	sshll.u32 s8, $0x1;
	s5 =	sadd.s32 s6, s20  }
0x9e: {  	s9 =	simm.s32 $0x0;
	s21 =	sshll.u32 s7, $0x1;
	s7 =	sadd.s32 s22, s5  }
0x9f: {  	[timem:s9], [sflag:s23] =	dma.local [hbm:s7], s21  }
0xa0: {  	_ =	swait.ge [sflag:s23], s21  }
0xa1: {  	s6 =	ssub.s32 $0x0, s21;
	[sflag:s23] =	ssyncset.done $0x0  }
0xa2: {  	[sflag:s23] =	ssyncadd.s32 s6;
	_ =	sdelay $0x1  }
0xa3: {  	s24 =	simm.s32 $0x1B8B  }
0xa4: {  	_ =	swait.ge [sflag:s24], $0x1  }
0xa5: {  	[sflag:s24] =	ssyncset.done $0x0  }
0xa6: {  	s25 =	simm.s32 $0x1B8E;
	[sflag:s24] =	ssyncadd.s32 $0xFFFFFFFF  }
0xa7: {  	s26 =	simm.s32 $execute0_lowered;
	[smem:$0x3FD2] =	sst s25  }
0xa8: {  	s6 =	sshll.u32 s26, $0x1;
	_ =	strace $0x80000046;
	[dreg:$0x1] =	wrdreg $0xFFFFFFFF  }
0xa9: {  	s28 =	simm.s32 $_size_execute0_lowered;
	s5 =	sadd.s32 s5, s6;
	[dreg:$0x0] =	wrdreg $0x0  }
0xaa: {  	s6 =	sshll.u32 s28, $0x1;
	[dreg:$0x2] =	wrdreg s5  }
0xab: {  	[dreg:$0x3] =	wrdreg s6  }
0xac: {  	[dreg:$0x4] =	wrdreg $0xC0  }
0xad: {  	_ =	task [dreg:s9], $0x5FFFF  }
0xae: {  	[dreg:$0x1] =	wrdreg $0xFFFFFFFF  }
0xaf: {  	[dreg:$0x0] =	wrdreg $0x60  }
0xb0: {  	[dreg:$0x2] =	wrdreg s2  }
0xb1: {  	[dreg:$0x3] =	wrdreg s19  }
0xb2: {  	[dreg:$0x4] =	wrdreg s4  }
0xb3: {  	[dreg:$0x5] =	wrdreg $0x9  }
0xb4: {  	_ =	task.clear_ibuf [dreg:s9], $0x6FFFF;
	_ =	strace $0x90000046  }
0xb5: {  	s29 =	simm.s32 $0x9;
	_ =	strace $0x80000048  }
0xb6: {  	_ =	swait.ge [sflag:s29], $0x1  }
0xb7: {  	[sflag:s29] =	ssyncadd.s32 $0xFFFFFFFF  }
0xb8: {  	_ =	strace $0x90000048  }
0xb9: {  	_ =	sfence  }
0xba: {  	s30 =	sld [smem:$0x0];
	_ =	sdelay $0x2  }
0xbb: {  	s31 =	sshll.u32 s1, $0xD;
	s1 =	sshrl.u32 s1, $0x2  }
0xbc: {  	s3 =	sand.u32 $0x4000, s31;
	s1 =	sadd.s32 s1, s30  }
0xbd: {  	s0 =	sor.u32 s3, s0;
	s1 =	sshll.u32 s1, $0x11  }
0xbe: {  	s0 =	sor.u32 s1, s0  }
0xbf: {  	s0 =	sadd.s32 $0x8F2B, s0  }
0xc0: {  	[sflag:s0] =	ssyncadd.remote.s32 $0x1  }
0xc1: {  	_ =	sfence.sel $0xFFFF  }
0xc2: {  	[dreg:$0x0] =	wrdreg $0xFFFFFFFF;
	(pc) =	sbr.abs _section_cstart, $3  }
0xc3: {  	[dreg:$0x1] =	wrdreg $0xFFFFFFFF  }
0xc4: {  	_ =	task.clear_ibuf [dreg:s9], $0x2FFFF;
	_ =	strace $0x9FFFFFFF  }
0xc5: {  	(tm) =	ssettm $0x7FFFFFFF  }
tec
execute0_lowered:
.L_overlay_start_1:
0x0: {  	(tag) =	ssettag $0x1  }
0x1: {  	s2 =	rddreg [dreg:$0x0]  }
0x2: {  	s4 =	rddreg [dreg:$0x1]  }
0x3: {  	s5 =	rddreg [dreg:$0x2]  }
0x4: {  	s3 =	srdreg.scid;
	s1 =	stileid.u32  }
0x5: {  	s0 =	rddreg [dreg:$0x3];
	s11 =	simm.s32 $0x2;
	s13 =	simm.s32 $0x3  }
0x6: {  	s14 =	simm.s32 $0x0;
	s6 =	sand.u32 $0x1, s3;
	s7 =	sshll.u32 s1, $0x1  }
0x7: {  	s3 =	simm.s32 $0x0;
	s8 =	ssub.s32 $0x2, s6;
	s6 =	sor.u32 s6, s7  }
0x8: {  	[smem:$0x7FF] =	sst s3;
	s30 =	sshrl.u32 s8, $0x1;
	s9 =	smul.u32 $0xC38, s6  }
.Ltmp0:
0x9: {  	_ =	strace $0x80000047;
	s6 =	sshll.u32 s6, $0xB;
	(pc) =	sbr.rel .LBB2_1-.Ltmp0, $4  }
0xa: {  	s7 =	ssub.s32 s8, s30;
	s5 =	sadd.s32 s5, s6;
	s8 =	simm.s32 $0xC3800  }
0xb: {  	s10 =	sand.u32 $0x1FF80, s9;
	s31 =	sadd.s32 $0xC38, s9;
	s6 =	smax.u32 s7, $0x1  }
0xc: {  	v2 =	vlaneseq.u32;
	s7 =	simm.s32 $0x6400;
	s9 =	simm.s32 $0x400;
	s12 =	sand.u32 $0x3FF80, s31  }
0xd: {  	v3 =	vimm.f32 $0.0e+00;
	s4 =	sadd.s32 s4, s10;
	v0 =	vmov s10;
	s10 =	simm.s32 $0x1;
	v1 =	vmov s12;
	s12 =	simm.s32 $0xCC00  }
.LBB2_6:
0xe: {  	s14 =	sadd.s32 $0x1, s14  }
0xf: {  	p0 =	sne.s32 s14, s6  }
.Ltmp1:
0x10: {  	_ = 	snop;
	(pc) =	sbr.rel @!p0 .LBB2_7-.Ltmp1, $4  }
0x11: {  	[hbm4b:s5+s3] =	stream.linear.scatter [tilespmem:s12], [sflag:$0x3], $0x4000, $0x38;
	[tilespmem:$0x10C00] =	vst v63  }
0x12: {  	_ =	swait.ge [sflag:s13], $0x4000  }
0x13: {  	[sflag:s13] =	ssyncset.done $0x0  }
0x14: {  	[sflag:s13] =	ssyncadd.s32 $0xFFFFC000  }
.LBB2_1:
0x15: {  	[tilespmem:s3], [sflag:$0x1] =	stream.linear.gather [hbm4b:s2+s3], $0x400, $0x38;
	[tilespmem:$0x10C00] =	vst v63  }
0x16: {  	_ = 	snop  }
0x17: {  	[tilespmem:s9], [sflag:$0x2] =	stream.strided.gather [hbm4b:s4+s7], $0xC800, s8, s7, $0x38;
	[tilespmem:$0x10C00] =	vst v63  }
0x18: {  	_ =	swait.ge [sflag:s10], $0x400  }
.Ltmp2:
0x19: {  	[sflag:s10] =	ssyncset.done $0x0;
	(pc) =	sbr.rel .LBB2_2-.Ltmp2, $4  }
0x1a: {  	[sflag:s10] =	ssyncadd.s32 $0xFFFFFC00  }
0x1b: {  	_ =	swait.ge [sflag:s11], $0xC800  }
0x1c: {  	[sflag:s11] =	ssyncset.done $0x0  }
0x1d: {  	s15 =	simm.s32 $0x0;
	s16 =	simm.s32 $0x0;
	[sflag:s11] =	ssyncadd.s32 $0xFFFF3800  }
.LBB2_4:
0x1e: {  	v6 =	vshll.u32 v6, $0x3  }
0x1f: {  	v4 =	vand.u32 $0x7F, v4;
	v5 =	vand.u32 $0x1C00, v6  }
0x20: {  	v7 =	vor.u32 v4, v5  }
0x21: {  	v8 =	vor.u32 $0x80, v7  }
0x22: {  	v9 =	vor.u32 $0x100, v7  }
0x23: {  	v10 =	vor.u32 $0x180, v7  }
0x24: {  	v5 =	vimm.f32 $0.0e+00;
	v11 =	vor.u32 $0x200, v7  }
0x25: {  	v12 =	vor.u32 $0x280, v7;
	[tilespmem:v7+s12+$0x0] =	vst.idx.msk $0xffff, v5  }
0x26: {  	v4 =	vor.u32 v6, v4;
	v6 =	vor.u32 $0x300, v7;
	[tilespmem:v8+s12+$0x0] =	vst.idx.msk $0xffff, v5  }
0x27: {  	v58 =	vor.u32 $0x380, v4;
	[tilespmem:v9+s12+$0x0] =	vst.idx.msk $0xffff, v5  }
0x28: {  	v59 =	vor.u32 $0x2000, v7;
	[tilespmem:v10+s12+$0x0] =	vst.idx.msk $0xffff, v5  }
0x29: {  	v60 =	vor.u32 $0x2080, v7;
	[tilespmem:v11+s12+$0x0] =	vst.idx.msk $0xffff, v5  }
0x2a: {  	v61 =	vor.u32 $0x2100, v7;
	[tilespmem:v12+s12+$0x0] =	vst.idx.msk $0xffff, v5  }
0x2b: {  	[tilespmem:v6+s12+$0x0] =	vst.idx.msk $0xffff, v5;
	v6 =	vor.u32 $0x2180, v7  }
0x2c: {  	v62 =	vor.u32 $0x2200, v7;
	[tilespmem:v58+s12+$0x0] =	vst.idx.msk $0xffff, v5  }
0x2d: {  	v63 =	vor.u32 $0x2280, v7;
	[tilespmem:v59+s12+$0x0] =	vst.idx.msk $0xffff, v5  }
0x2e: {  	v7 =	vor.u32 $0x2300, v7;
	[tilespmem:v60+s12+$0x0] =	vst.idx.msk $0xffff, v5  }
0x2f: {  	[tilespmem:v61+s12+$0x0] =	vst.idx.msk $0xffff, v5  }
0x30: {  	[tilespmem:v6+s12+$0x0] =	vst.idx.msk $0xffff, v5  }
0x31: {  	[tilespmem:v62+s12+$0x0] =	vst.idx.msk $0xffff, v5  }
0x32: {  	[tilespmem:v63+s12+$0x0] =	vst.idx.msk $0xffff, v5  }
0x33: {  	[tilespmem:v7+s12+$0x0] =	vst.idx.msk $0xffff, v5  }
.LBB2_5:
0x34: {  	s16 =	sadd.s32 $0x10, s16  }
0x35: {  	v4 =	vor.u32 $0x2380, v4;
	p0 =	sne.s32 s16, $0x400  }
.Ltmp3:
0x36: {  	_ = 	snop;
	(pc) =	sbr.rel @!p0 .LBB2_6-.Ltmp3, $2  }
0x37: {  	_ =	sdelay $0x2  }
0x38: {  	s15 =	sadd.s32 $0x10, s15;
	[tilespmem:v4+s12+$0x0] =	vst.idx.msk $0xffff, v5  }
.LBB2_2:
0x39: {  	v5 =	vld [tilespmem:s15+$0x0];
	_ =	sdelay $0x4  }
0x3a: {  	vm0 =	vge.s32 v5, v0;
	vm1 =	vlt.s32 v5, v1  }
0x3b: {  	vm0 =	vmand vm0, vm1  }
0x3c: {  	v4 =	vsel vm0, $0x3F800000, v3  }
0x3d: {  	(xrf0) =	vmax.scan.msk.f32 $0xffff, v4;
	_ =	sdelay $0x5  }
0x3e: {  	v4, _, _ =	vpop (xrf0)  }
0x3f: {  	(v2sf) =	vpush v4, $0xF;
	_ =	sdelay $0xe  }
0x40: {  	s17 =	spop (v2sf)  }
0x41: {  	p0 =	sgt.f32 s17, $0.0e+00  }
.Ltmp4:
0x42: {  	_ = 	snop;
	(pc) =	sbr.rel @!p0 .LBB2_4-.Ltmp4, $2  }
0x43: {  	_ =	sdelay $0x2  }
0x44: {  	v6 =	vmov s16;
	v4 =	vor.u32 s16, v2  }
0x45: {  	v5 =	vsub.s32 v5, v0  }
0x46: {  	vm1 =	vgt.s32 v5, $0x0  }
0x47: {  	v5 =	vnsel vm1, $0x0, v5  }
0x48: {  	v5 =	vmin.u32 v5, $0xC7F  }
0x49: {  	v7 =	vshll.u32 v5, $0x3  }
0x4a: {  	v5 =	vand.u32 $0x7F, v5;
	v7 =	vand.u32 $0x7C00, v7  }
0x4b: {  	v5 =	vor.u32 v5, v7;
	_ =	sdelay $0x3  }
0x4c: {  	v6 =	vshll.u32 v6, $0x3  }
0x4d: {  	v4 =	vand.u32 $0x7F, v4;
	v8 =	vand.u32 $0x1C00, v6;
	v7 =	vld.idx.msk [tilespmem:v5+s9+$0x0], $0xffff  }
0x4e: {  	v8 =	vor.u32 v4, v8  }
0x4f: {  	v9 =	vor.u32 $0x80, v5;
	_ =	sdelay $0x2  }
0x50: {  	v7 =	vnsel vm0, $0x0, v7  }
0x51: {  	[tilespmem:v8+s12+$0x0] =	vst.idx.msk $0xffff, v7  }
0x52: {  	v7 =	vld.idx.msk [tilespmem:v9+s9+$0x0], $0xffff  }
0x53: {  	v46 =	vor.u32 $0x80, v8  }
0x54: {  	v10 =	vor.u32 $0x100, v5;
	_ =	sdelay $0x2  }
0x55: {  	v7 =	vnsel vm0, $0x0, v7  }
0x56: {  	[tilespmem:v46+s12+$0x0] =	vst.idx.msk $0xffff, v7  }
0x57: {  	v7 =	vld.idx.msk [tilespmem:v10+s9+$0x0], $0xffff  }
0x58: {  	v47 =	vor.u32 $0x100, v8  }
0x59: {  	v48 =	vor.u32 $0x180, v5;
	_ =	sdelay $0x2  }
0x5a: {  	v7 =	vnsel vm0, $0x0, v7  }
0x5b: {  	[tilespmem:v47+s12+$0x0] =	vst.idx.msk $0xffff, v7  }
0x5c: {  	v7 =	vld.idx.msk [tilespmem:v48+s9+$0x0], $0xffff  }
0x5d: {  	v49 =	vor.u32 $0x180, v8  }
0x5e: {  	v50 =	vor.u32 $0x200, v5;
	_ =	sdelay $0x2  }
0x5f: {  	v7 =	vnsel vm0, $0x0, v7  }
0x60: {  	[tilespmem:v49+s12+$0x0] =	vst.idx.msk $0xffff, v7  }
0x61: {  	v7 =	vld.idx.msk [tilespmem:v50+s9+$0x0], $0xffff  }
0x62: {  	v51 =	vor.u32 $0x200, v8  }
0x63: {  	v52 =	vor.u32 $0x280, v5;
	_ =	sdelay $0x2  }
0x64: {  	v7 =	vnsel vm0, $0x0, v7  }
0x65: {  	[tilespmem:v51+s12+$0x0] =	vst.idx.msk $0xffff, v7  }
0x66: {  	v7 =	vld.idx.msk [tilespmem:v52+s9+$0x0], $0xffff  }
0x67: {  	v53 =	vor.u32 $0x280, v8  }
0x68: {  	v54 =	vor.u32 $0x300, v5;
	_ =	sdelay $0x2  }
0x69: {  	v7 =	vnsel vm0, $0x0, v7  }
0x6a: {  	[tilespmem:v53+s12+$0x0] =	vst.idx.msk $0xffff, v7  }
0x6b: {  	v7 =	vld.idx.msk [tilespmem:v54+s9+$0x0], $0xffff  }
0x6c: {  	v55 =	vor.u32 $0x300, v8  }
0x6d: {  	v56 =	vor.u32 $0x380, v5;
	_ =	sdelay $0x2  }
0x6e: {  	v7 =	vnsel vm0, $0x0, v7  }
0x6f: {  	[tilespmem:v55+s12+$0x0] =	vst.idx.msk $0xffff, v7  }
0x70: {  	v4 =	vor.u32 v6, v4;
	v7 =	vld.idx.msk [tilespmem:v56+s9+$0x0], $0xffff  }
0x71: {  	v6 =	vor.u32 $0x380, v4  }
0x72: {  	v57 =	vadd.s32 $0x6400, v5;
	_ =	sdelay $0x2  }
0x73: {  	v7 =	vnsel vm0, $0x0, v7  }
0x74: {  	[tilespmem:v6+s12+$0x0] =	vst.idx.msk $0xffff, v7  }
0x75: {  	v6 =	vld.idx.msk [tilespmem:v57+s9+$0x0], $0xffff  }
0x76: {  	v7 =	vor.u32 $0x2000, v8  }
0x77: {  	v58 =	vadd.s32 $0x6480, v5;
	_ =	sdelay $0x2  }
0x78: {  	v6 =	vnsel vm0, $0x0, v6  }
0x79: {  	[tilespmem:v7+s12+$0x0] =	vst.idx.msk $0xffff, v6  }
0x7a: {  	v6 =	vld.idx.msk [tilespmem:v58+s9+$0x0], $0xffff  }
0x7b: {  	v7 =	vor.u32 $0x2080, v8  }
0x7c: {  	v59 =	vadd.s32 $0x6500, v5;
	_ =	sdelay $0x2  }
0x7d: {  	v6 =	vnsel vm0, $0x0, v6  }
0x7e: {  	[tilespmem:v7+s12+$0x0] =	vst.idx.msk $0xffff, v6  }
0x7f: {  	v6 =	vld.idx.msk [tilespmem:v59+s9+$0x0], $0xffff  }
0x80: {  	v7 =	vor.u32 $0x2100, v8  }
0x81: {  	v60 =	vadd.s32 $0x6580, v5;
	_ =	sdelay $0x2  }
0x82: {  	v6 =	vnsel vm0, $0x0, v6  }
0x83: {  	[tilespmem:v7+s12+$0x0] =	vst.idx.msk $0xffff, v6  }
0x84: {  	v6 =	vld.idx.msk [tilespmem:v60+s9+$0x0], $0xffff  }
0x85: {  	v7 =	vor.u32 $0x2180, v8  }
0x86: {  	v61 =	vadd.s32 $0x6600, v5;
	_ =	sdelay $0x2  }
0x87: {  	v6 =	vnsel vm0, $0x0, v6  }
0x88: {  	[tilespmem:v7+s12+$0x0] =	vst.idx.msk $0xffff, v6  }
0x89: {  	v6 =	vld.idx.msk [tilespmem:v61+s9+$0x0], $0xffff  }
0x8a: {  	v7 =	vor.u32 $0x2200, v8  }
0x8b: {  	v62 =	vadd.s32 $0x6680, v5;
	_ =	sdelay $0x2  }
0x8c: {  	v6 =	vnsel vm0, $0x0, v6  }
0x8d: {  	[tilespmem:v7+s12+$0x0] =	vst.idx.msk $0xffff, v6  }
0x8e: {  	v6 =	vld.idx.msk [tilespmem:v62+s9+$0x0], $0xffff  }
0x8f: {  	v7 =	vor.u32 $0x2280, v8  }
0x90: {  	v63 =	vadd.s32 $0x6700, v5;
	_ =	sdelay $0x2  }
0x91: {  	v6 =	vnsel vm0, $0x0, v6  }
0x92: {  	[tilespmem:v7+s12+$0x0] =	vst.idx.msk $0xffff, v6  }
0x93: {  	v6 =	vld.idx.msk [tilespmem:v63+s9+$0x0], $0xffff  }
0x94: {  	v7 =	vor.u32 $0x2300, v8  }
0x95: {  	v5 =	vadd.s32 $0x6780, v5;
	_ =	sdelay $0x2  }
0x96: {  	v6 =	vnsel vm0, $0x0, v6  }
0x97: {  	[tilespmem:v7+s12+$0x0] =	vst.idx.msk $0xffff, v6  }
0x98: {  	v5 =	vld.idx.msk [tilespmem:v5+s9+$0x0], $0xffff  }
.Ltmp5:
0x99: {  	_ = 	snop;
	(pc) =	sbr.rel .LBB2_5-.Ltmp5, $2  }
0x9a: {  	_ =	sdelay $0x2  }
0x9b: {  	v5 =	vnsel vm0, $0x0, v5  }
.LBB2_7:
0x9c: {  	_ =	sfence.sel $0x180000  }
0x9d: {  	[bflag:$0x0] =	sbarrier.arrive $0xFFFF  }
0x9e: {  	p0 =	sne.s32 s1, $0x0;
	_ =	strace $0x90000047  }
0x9f: {  	s0 =	sadd.s32 @!p0 $0x100000, s0;
	[bflag:$0x2] =	sbarrier.arrive $0xFFFF  }
0xa0: {  	[sflag:s0] =	ssyncadd.tile.s32 @!p0 $0x1;
	_ =	shalt  }
.Lfunc_end2:
_tile_overlayer_lowered:
.L_overlay_start_2:
0xa1: {  	(tag) =	ssettag $0x2  }
0xa2: {  	s0 =	rddreg [dreg:$0x0];
	s2 =	stileid.u32  }
0xa3: {  	s1 =	rddreg [dreg:$0x1];
	p0 =	sne.s32 s2, $0x0  }
0xa4: {  	s3 =	rddreg [dreg:$0x2];
	[bflag:$0x3] =	sbarrier.arrive $0xFFFF;
	s2 =	simm.s32 @!p0 $0x1C03  }
0xa5: {  	[timem:s3], [sflag:s2] =	dma.local @!p0 [hbm:s0], s1  }
0xa6: {  	s0 =	simm.s32 @!p0 $0x3  }
0xa7: {  	_ =	swait.ge @!p0 [sflag:s0], s1  }
0xa8: {  	s1 =	ssub.s32 @!p0 $0x0, s1;
	[sflag:s0] =	ssyncset.done @!p0 $0x0  }
0xa9: {  	[sflag:s0] =	ssyncadd.s32 @!p0 s1  }
0xaa: {  	[bflag:$0x3] =	sbarrier.arrive $0xFFFF  }
0xab: {  	_ =	shalt  }

</sc_bundles>
